<compile_context>
chip_gen: v7x
topology: tpu7x:2x2x1
jax: 0.10.2.dev20260603
libtpu: 0.0.44.dev20260713+nightly
codegen_flags: <defaults>
</compile_context>

<pallas_src>
import functools

import jax
import jax.numpy as jnp
from jax import lax
from jax.experimental import pallas as pl
from jax.experimental.pallas import tpu as pltpu
from jax.experimental.pallas import tpu_sc as plsc

_N = 1000
_E = 64000
_NPAD = 1024
_NC = 2
_NS = 16
_NW = _NC * _NS
_EPW = _E // _NW
_L = 16


_sc_mesh = plsc.VectorSubcoreMesh(core_axis_name="c", subcore_axis_name="s")


@functools.partial(
    pl.kernel,
    mesh=_sc_mesh,
    compiler_params=pltpu.CompilerParams(needs_layout_passes=False),
    out_type=jax.ShapeDtypeStruct((_NW, 1, 2 * _NPAD), jnp.float32),
    scratch_types=[
        pltpu.VMEM((_EPW,), jnp.int32),
        pltpu.VMEM((_N,), jnp.float32),
        pltpu.VMEM((2 * _NPAD,), jnp.float32),
        pltpu.SemaphoreType.DMA,
    ],
)
def _sc_seg(edge_hbm, x_hbm, out_hbm, pk_v, x_v, cnt_v, sem):
    wid = lax.axis_index("s") * _NC + lax.axis_index("c")
    base = wid * _EPW
    cp_e = pltpu.async_copy(edge_hbm.at[pl.ds(base, _EPW)], pk_v, sem)
    cp_x = pltpu.async_copy(x_hbm, x_v, sem)

    @plsc.parallel_loop(0, 2 * _NPAD // _L, unroll=8)
    def _zero(i):
        cnt_v[pl.ds(i * _L, _L)] = jnp.zeros((_L,), jnp.float32)

    cp_e.wait()
    cp_x.wait()

    ones = jnp.full((_L,), 1.0, jnp.float32)

    @plsc.parallel_loop(0, _EPW // _L, unroll=5)
    def _edges(i):
        p = pk_v[pl.ds(i * _L, _L)]
        row = lax.shift_right_logical(p, 10)
        col = lax.bitwise_and(p, 1023)
        xv = plsc.load_gather(x_v, [col])
        off = jnp.where(xv > 0.999, 0, _NPAD)
        plsc.addupdate_scatter(cnt_v, [row + off], ones)

    pltpu.sync_copy(cnt_v, out_hbm.at[wid, 0])


def _tc_loss_fn(part_ref, x_ref, y_ref, o_ref, loss_ref):
    s = jnp.sum(part_ref[...], axis=0)
    n1 = s[:, :_N]
    n0 = s[:, _NPAD:_NPAD + _N]
    xr = x_ref[...]
    a_row = n1
    b_row = xr * 131072.0 + n0

    ii = lax.broadcasted_iota(jnp.int32, (_N, _N), 0)
    jj = lax.broadcasted_iota(jnp.int32, (_N, _N), 1)
    ident = (ii == jj).astype(jnp.float32)
    dn = (((1,), (1,)), ((), ()))
    a_col = lax.dot_general(ident, a_row, dn,
                            preferred_element_type=jnp.float32)
    b_col = lax.dot_general(ident, b_row, dn,
                            preferred_element_type=jnp.float32)
    eq = (a_col == a_row) & (b_col == b_row)
    counts = jnp.sum(eq.astype(jnp.float32), axis=1, keepdims=True)
    w = lax.rsqrt(counts)

    o = o_ref[...]
    l0 = o[:, 0:1]
    l1 = o[:, 1:2]
    m = jnp.maximum(l0, l1)
    lse = m + jnp.log(jnp.exp(l0 - m) + jnp.exp(l1 - m))
    ly = jnp.where(y_ref[...] == 0, l0, l1)
    node_loss = lse - ly
    num = jnp.sum(node_loss * w)
    den = jnp.sum(w)
    loss_ref[...] = (num / den)[None, None]


def kernel(out, x, y, edge_index):
    packed = (edge_index[0] << 10) | edge_index[1]
    partials = _sc_seg(packed, x)
    xr = x.reshape(1, _N)
    yc = y.reshape(_N, 1)
    res = pl.pallas_call(
        _tc_loss_fn,
        out_shape=jax.ShapeDtypeStruct((1, 1), jnp.float32),
    )(partials, xr, yc, out)
    return res[0, 0]

# --- scband reference (transcript-rebuilt; emitter-appended) ---
"""Pipeline reference for scband-weighted-loss-7980049236598 (READ-ONLY COPY).

The authoritative reference and input builder live on the scoring server;
editing this copy changes nothing except your own understanding.
"""

import jax, jax.numpy as jnp
import numpy as np

N = 1000
E = 64000
LAMB = 0.5


def setup_inputs(seed: int = 0) -> dict:
    key = jax.random.key(seed)
    k1, k2, k3, k4 = jax.random.split(key, 4)
    edge_index = jax.random.randint(k1, (2, E), 0, N, dtype=jnp.int32)
    # binary node feature so that the state-histogram keys (x_i, n1, n0) actually collide
    x = jax.random.bernoulli(k2, 0.5, (N,)).astype(jnp.float32)
    y = jax.random.randint(k3, (N,), 0, 2, dtype=jnp.int32)
    out = jax.random.normal(k4, (N, 2), dtype=jnp.float32)
    return {"out": out, "x": x, "y": y, "edge_index": edge_index}


def reference(out, x, y, edge_index):
    row = edge_index[0]
    col = edge_index[1]
    # per-edge: does source-neighbor feature exceed 0.999?
    hi = (x[col] > 0.999).astype(jnp.float32)
    # scatter-add into per-node neighbor-state counts (x_Ni_state)
    n1 = jax.ops.segment_sum(hi, row, num_segments=N)
    n0 = jax.ops.segment_sum(1.0 - hi, row, num_segments=N)
    # state_dict: count how many nodes share the key (x_i, n1_i, n0_i)
    eq = (x[:, None] == x[None, :]) & (n1[:, None] == n1[None, :]) & (n0[:, None] == n0[None, :])
    counts = jnp.sum(eq.astype(jnp.float32), axis=1)
    # w[i] = count(key_i) ** (-lamb)
    w = counts ** (-LAMB)
    Z = jnp.sum(w)
    # F.cross_entropy(out, y, reduction='none')
    logp = jax.nn.log_softmax(out, axis=-1)
    node_loss = -jnp.take_along_axis(logp, y.astype(jnp.int32)[:, None], axis=1)[:, 0]
    loss = node_loss * w
    return jnp.sum(loss) / Z

if __name__ == "__main__":
    import jax
    _d = setup_inputs()
    print(jax.jit(kernel)(*tuple(_d.values())))

</pallas_src>

<mosaic_0001>
#map = affine_map<(d0, d1) -> (0)>
#map1 = affine_map<(d0, d1) -> (0, 0, 0)>
module attributes {stable_mosaic.version = 14 : i64} {
  func.func @_sc_seg(%arg0: i32, %arg1: i32, %arg2: memref<64000xi32, #tpu.memory_space<hbm>>, %arg3: memref<1000xf32, #tpu.memory_space<hbm>>, %arg4: memref<32x1x2048xf32, #tpu.memory_space<hbm>>, %arg5: memref<2000xi32, #tpu.memory_space<vmem>>, %arg6: memref<1000xf32, #tpu.memory_space<vmem>>, %arg7: memref<2048xf32, #tpu.memory_space<vmem>>, %arg8: memref<!tpu.dma_semaphore, #tpu.memory_space<semaphore_mem>>) attributes {dimension_semantics = [#tpu.dimension_semantics<core_parallel>, #tpu.dimension_semantics<subcore_parallel>], iteration_bounds = array<i64: 2, 16>, scalar_prefetch = 0 : i64, scratch_operands = 4 : i64, tpu.core_type = #tpu.core_type<sc_vector_subcore>, window_params = [{transform_indices = #map}, {transform_indices = #map}, {transform_indices = #map1}]} {
    %mul3A = arith.constant 2 : i32
    %mul3A_0 = arith.muli %arg1, %mul3A : i32
    %add3A = arith.addi %mul3A_0, %arg0 : i32
    %mul3A_1 = arith.constant 2000 : i32
    %mul3A_2 = arith.muli %add3A, %mul3A_1 : i32
    %dma_start3A = tpu.memref_slice %arg2[%mul3A_2] : memref<64000xi32, #tpu.memory_space<hbm>> -> memref<2000xi32, #tpu.memory_space<hbm>>
    %dma_start3A_3 = tpu.memref_slice %arg2[%mul3A_2] : memref<64000xi32, #tpu.memory_space<hbm>> -> memref<2000xi32, #tpu.memory_space<hbm>>
    tpu.enqueue_dma source(%dma_start3A_3 : memref<2000xi32, #tpu.memory_space<hbm>>) target(%arg5 : memref<2000xi32, #tpu.memory_space<vmem>>) target_semaphore(%arg8 : memref<!tpu.dma_semaphore, #tpu.memory_space<semaphore_mem>>)
    tpu.enqueue_dma source(%arg3 : memref<1000xf32, #tpu.memory_space<hbm>>) target(%arg6 : memref<1000xf32, #tpu.memory_space<vmem>>) target_semaphore(%arg8 : memref<!tpu.dma_semaphore, #tpu.memory_space<semaphore_mem>>)
    %parallel_loop3A = arith.constant 0 : i32
    %parallel_loop3A_4 = arith.constant 128 : i32
    %parallel_loop3A_5 = arith.constant 1 : i32
    scf.for %parallel_loop3A_11 = %parallel_loop3A to %parallel_loop3A_4 step %parallel_loop3A_5  : i32 {
      %parallel_loop3A_12 = arith.constant 0.000000e+00 : f32
      %parallel_loop3A_13 = vector.broadcast %parallel_loop3A_12 : f32 to vector<16xf32>
      %parallel_loop3A_14 = arith.constant 16 : i32
      %parallel_loop3A_15 = arith.muli %parallel_loop3A_11, %parallel_loop3A_14 : i32
      %parallel_loop3A_16 = arith.index_cast %parallel_loop3A_15 : i32 to index
      %parallel_loop3A_17 = tpu.vector_load %arg7[%parallel_loop3A_16] {strides = array<i32>} : memref<2048xf32, #tpu.memory_space<vmem>>, vector<16xf32>,
      tpu.vector_store %arg7[%parallel_loop3A_16], %parallel_loop3A_13 {strides = array<i32>} : memref<2048xf32, #tpu.memory_space<vmem>>, vector<16xf32>,
    } {sc.loop_unroll_factor = 8 : i64, sc.parallel_access}
    %dma_wait3A = tpu.memref_slice %arg2[%mul3A_2] : memref<64000xi32, #tpu.memory_space<hbm>> -> memref<2000xi32, #tpu.memory_space<hbm>>
    %dma_wait3A_6 = tpu.memref_slice %arg2[%mul3A_2] : memref<64000xi32, #tpu.memory_space<hbm>> -> memref<2000xi32, #tpu.memory_space<hbm>>
    tpu.wait_dma2 semaphore(%arg8 : memref<!tpu.dma_semaphore, #tpu.memory_space<semaphore_mem>>) src(%dma_wait3A_6 : memref<2000xi32, #tpu.memory_space<hbm>>) dst(%arg5 : memref<2000xi32, #tpu.memory_space<vmem>>)
    tpu.wait_dma2 semaphore(%arg8 : memref<!tpu.dma_semaphore, #tpu.memory_space<semaphore_mem>>) src(%arg3 : memref<1000xf32, #tpu.memory_space<hbm>>) dst(%arg6 : memref<1000xf32, #tpu.memory_space<vmem>>)
    %broadcast_in_dim3A = arith.constant 1.000000e+00 : f32
    %broadcast_in_dim3A_7 = vector.broadcast %broadcast_in_dim3A : f32 to vector<16xf32>
    %parallel_loop3A_8 = arith.constant 0 : i32
    %parallel_loop3A_9 = arith.constant 125 : i32
    %parallel_loop3A_10 = arith.constant 1 : i32
    scf.for %parallel_loop3A_11 = %parallel_loop3A_8 to %parallel_loop3A_9 step %parallel_loop3A_10  : i32 {
      %parallel_loop3A_12 = arith.constant 16 : i32
      %parallel_loop3A_13 = arith.muli %parallel_loop3A_11, %parallel_loop3A_12 : i32
      %parallel_loop3A_14 = arith.index_cast %parallel_loop3A_13 : i32 to index
      %parallel_loop3A_15 = tpu.vector_load %arg5[%parallel_loop3A_14] {strides = array<i32>} : memref<2000xi32, #tpu.memory_space<vmem>>, vector<16xi32>,
      %parallel_loop3A_16 = arith.constant 10 : i32
      %parallel_loop3A_17 = vector.broadcast %parallel_loop3A_16 : i32 to vector<16xi32>
      %parallel_loop3A_18 = arith.shrui %parallel_loop3A_15, %parallel_loop3A_17 : vector<16xi32>
      %parallel_loop3A_19 = arith.constant 1023 : i32
      %parallel_loop3A_20 = vector.broadcast %parallel_loop3A_19 : i32 to vector<16xi32>
      %parallel_loop3A_21 = arith.andi %parallel_loop3A_15, %parallel_loop3A_20 : vector<16xi32>
      %parallel_loop3A_22 = tpu.vector_load_idx %arg6[%parallel_loop3A_21] : memref<1000xf32, #tpu.memory_space<vmem>>[vector<16xi32>], vector<16xf32>,
      %parallel_loop3A_23 = arith.constant 9.990000e-01 : f32
      %parallel_loop3A_24 = vector.broadcast %parallel_loop3A_23 : f32 to vector<16xf32>
      %parallel_loop3A_25 = arith.cmpf ogt, %parallel_loop3A_22, %parallel_loop3A_24 : vector<16xf32>
      %parallel_loop3A_26 = arith.constant 0 : i32
      %parallel_loop3A_27 = arith.constant 1024 : i32
      %parallel_loop3A_28 = vector.broadcast %parallel_loop3A_26 : i32 to vector<16xi32>
      %parallel_loop3A_29 = vector.broadcast %parallel_loop3A_27 : i32 to vector<16xi32>
      %parallel_loop3A_30 = arith.select %parallel_loop3A_25, %parallel_loop3A_28, %parallel_loop3A_29 : vector<16xi1>, vector<16xi32>
      %parallel_loop3A_31 = arith.addi %parallel_loop3A_18, %parallel_loop3A_30 : vector<16xi32>
      tpu.vector_store_idx %arg7[%parallel_loop3A_31], %broadcast_in_dim3A_7 {add = true} : memref<2048xf32, #tpu.memory_space<vmem>>[vector<16xi32>], vector<16xf32>,
    } {sc.loop_unroll_factor = 5 : i64, sc.parallel_access}
    %run_scoped3A = arith.constant 0 : i32
    "tpu.region"() ({
      %run_scoped3A_11 = tpu.sem_alloc : memref<!tpu.dma_semaphore, #tpu.memory_space<semaphore_mem>>
      %dma_start3A_12 = arith.constant 0 : i32
      %dma_start3A_13 = tpu.memref_slice %arg4[%add3A, %run_scoped3A, %dma_start3A_12] : memref<32x1x2048xf32, #tpu.memory_space<hbm>> -> memref<1x1x2048xf32, #tpu.memory_space<hbm>>
      %dma_start3A_14 = tpu.memref_squeeze %dma_start3A_13 : memref<1x1x2048xf32, #tpu.memory_space<hbm>> -> memref<2048xf32, #tpu.memory_space<hbm>>
      %dma_start3A_15 = arith.constant 0 : i32
      %dma_start3A_16 = tpu.memref_slice %arg4[%add3A, %run_scoped3A, %dma_start3A_15] : memref<32x1x2048xf32, #tpu.memory_space<hbm>> -> memref<1x1x2048xf32, #tpu.memory_space<hbm>>
      %dma_start3A_17 = tpu.memref_squeeze %dma_start3A_16 : memref<1x1x2048xf32, #tpu.memory_space<hbm>> -> memref<2048xf32, #tpu.memory_space<hbm>>
      tpu.enqueue_dma source(%arg7 : memref<2048xf32, #tpu.memory_space<vmem>>) target(%dma_start3A_17 : memref<2048xf32, #tpu.memory_space<hbm>>) target_semaphore(%run_scoped3A_11 : memref<!tpu.dma_semaphore, #tpu.memory_space<semaphore_mem>>)
      %dma_wait3A_18 = arith.constant 0 : i32
      %dma_wait3A_19 = tpu.memref_slice %arg4[%add3A, %run_scoped3A, %dma_wait3A_18] : memref<32x1x2048xf32, #tpu.memory_space<hbm>> -> memref<1x1x2048xf32, #tpu.memory_space<hbm>>
      %dma_wait3A_20 = tpu.memref_squeeze %dma_wait3A_19 : memref<1x1x2048xf32, #tpu.memory_space<hbm>> -> memref<2048xf32, #tpu.memory_space<hbm>>
      %dma_wait3A_21 = arith.constant 0 : i32
      %dma_wait3A_22 = tpu.memref_slice %arg4[%add3A, %run_scoped3A, %dma_wait3A_21] : memref<32x1x2048xf32, #tpu.memory_space<hbm>> -> memref<1x1x2048xf32, #tpu.memory_space<hbm>>
      %dma_wait3A_23 = tpu.memref_squeeze %dma_wait3A_22 : memref<1x1x2048xf32, #tpu.memory_space<hbm>> -> memref<2048xf32, #tpu.memory_space<hbm>>
      tpu.wait_dma2 semaphore(%run_scoped3A_11 : memref<!tpu.dma_semaphore, #tpu.memory_space<semaphore_mem>>) src(%arg7 : memref<2048xf32, #tpu.memory_space<vmem>>) dst(%dma_wait3A_23 : memref<2048xf32, #tpu.memory_space<hbm>>)
      tpu.yield
    }) : () -> ()
    return
  }
}

module attributes {stable_mosaic.version = 14 : i64} {
  func.func @_tc_loss_fn(%arg0: memref<32x1x2048xf32, #tpu.memory_space<vmem>>, %arg1: memref<1x1000xf32, #tpu.memory_space<vmem>>, %arg2: memref<1000x1xi32, #tpu.memory_space<vmem>>, %arg3: memref<1000x2xf32, #tpu.memory_space<vmem>>, %arg4: memref<1x1xf32, #tpu.memory_space<vmem>>) attributes {dimension_semantics = [], scalar_prefetch = 0 : i64, scratch_operands = 0 : i64, tpu.core_type = #tpu.core_type<tc>} {
    %get3A = arith.constant 0 : index
    %get3A_0 = arith.constant 0 : index
    %get3A_1 = arith.constant 0 : index
    %get3A_2 = vector.load %arg0[%get3A, %get3A_0, %get3A_1] : memref<32x1x2048xf32, #tpu.memory_space<vmem>>, vector<32x1x2048xf32>
    %reduce_sum3A = arith.constant dense<0.000000e+00> : vector<1x2048xf32>
    %reduce_sum3A_3 = vector.multi_reduction <add>, %get3A_2, %reduce_sum3A [0] : vector<32x1x2048xf32> to vector<1x2048xf32>
    %slice3A = vector.extract_strided_slice %reduce_sum3A_3 {offsets = [0, 0], sizes = [1, 1000], strides = [1, 1]} : vector<1x2048xf32> to vector<1x1000xf32>
    %slice3A_4 = vector.extract_strided_slice %reduce_sum3A_3 {offsets = [0, 1024], sizes = [1, 1000], strides = [1, 1]} : vector<1x2048xf32> to vector<1x1000xf32>
    %get3A_5 = arith.constant 0 : index
    %get3A_6 = arith.constant 0 : index
    %get3A_7 = vector.load %arg1[%get3A_5, %get3A_6] : memref<1x1000xf32, #tpu.memory_space<vmem>>, vector<1x1000xf32>
    %mul3A = arith.constant 1.310720e+05 : f32
    %mul3A_8 = vector.broadcast %mul3A : f32 to vector<1x1000xf32>
    %mul3A_9 = arith.mulf %get3A_7, %mul3A_8 : vector<1x1000xf32>
    %add3A = arith.addf %mul3A_9, %slice3A_4 : vector<1x1000xf32>
    %iota3A = tpu.iota {dimensions = array<i32: 0>} : vector<1000x1000xi32>
    %iota3A_10 = tpu.iota {dimensions = array<i32: 1>} : vector<1000x1000xi32>
    %eq3A = arith.cmpi eq, %iota3A, %iota3A_10 : vector<1000x1000xi32>
    %convert_element_type3A = arith.extui %eq3A : vector<1000x1000xi1> to vector<1000x1000xi32>
    %convert_element_type3A_11 = arith.sitofp %convert_element_type3A : vector<1000x1000xi32> to vector<1000x1000xf32>
    %dot_general3A = arith.constant dense<0.000000e+00> : vector<1000x1xf32>
    %dot_general3A_12 = tpu.matmul %convert_element_type3A_11, %slice3A, %dot_general3A {dimension_numbers = #tpu.dot_dimension_numbers<[1], [1], [0], [0], [0, 0, 1, 0], [], []>, transpose_lhs_hint = false} : vector<1000x1000xf32>, vector<1x1000xf32>, vector<1000x1xf32> -> vector<1000x1xf32>
    %dot_general3A_13 = arith.constant dense<0.000000e+00> : vector<1000x1xf32>
    %dot_general3A_14 = tpu.matmul %convert_element_type3A_11, %add3A, %dot_general3A_13 {dimension_numbers = #tpu.dot_dimension_numbers<[1], [1], [0], [0], [0, 0, 1, 0], [], []>, transpose_lhs_hint = false} : vector<1000x1000xf32>, vector<1x1000xf32>, vector<1000x1xf32> -> vector<1000x1xf32>
    %eq3A_15 = vector.broadcast %dot_general3A_12 : vector<1000x1xf32> to vector<1000x1000xf32>
    %eq3A_16 = vector.broadcast %slice3A : vector<1x1000xf32> to vector<1000x1000xf32>
    %eq3A_17 = arith.cmpf oeq, %eq3A_15, %eq3A_16 : vector<1000x1000xf32>
    %eq3A_18 = vector.broadcast %dot_general3A_14 : vector<1000x1xf32> to vector<1000x1000xf32>
    %eq3A_19 = vector.broadcast %add3A : vector<1x1000xf32> to vector<1000x1000xf32>
    %eq3A_20 = arith.cmpf oeq, %eq3A_18, %eq3A_19 : vector<1000x1000xf32>
    %and3A = arith.andi %eq3A_17, %eq3A_20 : vector<1000x1000xi1>
    %convert_element_type3A_21 = arith.extui %and3A : vector<1000x1000xi1> to vector<1000x1000xi32>
    %convert_element_type3A_22 = arith.sitofp %convert_element_type3A_21 : vector<1000x1000xi32> to vector<1000x1000xf32>
    %reduce_sum3A_23 = arith.constant dense<0.000000e+00> : vector<1000xf32>
    %reduce_sum3A_24 = vector.multi_reduction <add>, %convert_element_type3A_22, %reduce_sum3A_23 [1] : vector<1000x1000xf32> to vector<1000xf32>
    %broadcast_in_dim3A = vector.shape_cast %reduce_sum3A_24 : vector<1000xf32> to vector<1000x1xf32>
    %rsqrt3A = math.rsqrt %broadcast_in_dim3A : vector<1000x1xf32>
    %get3A_25 = arith.constant 0 : index
    %get3A_26 = arith.constant 0 : index
    %get3A_27 = vector.load %arg3[%get3A_25, %get3A_26] : memref<1000x2xf32, #tpu.memory_space<vmem>>, vector<1000x2xf32>
    %slice3A_28 = vector.extract_strided_slice %get3A_27 {offsets = [0, 0], sizes = [1000, 1], strides = [1, 1]} : vector<1000x2xf32> to vector<1000x1xf32>
    %slice3A_29 = vector.extract_strided_slice %get3A_27 {offsets = [0, 1], sizes = [1000, 1], strides = [1, 1]} : vector<1000x2xf32> to vector<1000x1xf32>
    %max3A = arith.maximumf %slice3A_28, %slice3A_29 : vector<1000x1xf32>
    %sub3A = arith.subf %slice3A_28, %max3A : vector<1000x1xf32>
    %exp3A = math.exp %sub3A : vector<1000x1xf32>
    %sub3A_30 = arith.subf %slice3A_29, %max3A : vector<1000x1xf32>
    %exp3A_31 = math.exp %sub3A_30 : vector<1000x1xf32>
    %add3A_32 = arith.addf %exp3A, %exp3A_31 : vector<1000x1xf32>
    %log3A = math.log %add3A_32 : vector<1000x1xf32>
    %add3A_33 = arith.addf %max3A, %log3A : vector<1000x1xf32>
    %get3A_34 = arith.constant 0 : index
    %get3A_35 = arith.constant 0 : index
    %get3A_36 = vector.load %arg2[%get3A_34, %get3A_35] : memref<1000x1xi32, #tpu.memory_space<vmem>>, vector<1000x1xi32>
    %eq3A_37 = arith.constant 0 : i32
    %eq3A_38 = vector.broadcast %eq3A_37 : i32 to vector<1000x1xi32>
    %eq3A_39 = arith.cmpi eq, %get3A_36, %eq3A_38 : vector<1000x1xi32>
    %select_n3A = arith.select %eq3A_39, %slice3A_28, %slice3A_29 : vector<1000x1xi1>, vector<1000x1xf32>
    %sub3A_40 = arith.subf %add3A_33, %select_n3A : vector<1000x1xf32>
    %mul3A_41 = arith.mulf %sub3A_40, %rsqrt3A : vector<1000x1xf32>
    %reduce_sum3A_42 = vector.shape_cast %mul3A_41 : vector<1000x1xf32> to vector<1x1000x1xf32>
    %reduce_sum3A_43 = arith.constant dense<0.000000e+00> : vector<1xf32>
    %reduce_sum3A_44 = vector.multi_reduction <add>, %reduce_sum3A_42, %reduce_sum3A_43 [1, 2] : vector<1x1000x1xf32> to vector<1xf32>
    %reduce_sum3A_45 = vector.shape_cast %reduce_sum3A_44 : vector<1xf32> to vector<1x1x1xf32>
    %reduce_sum3A_46 = vector.extract %reduce_sum3A_45[0, 0, 0] : f32 from vector<1x1x1xf32>
    %reduce_sum3A_47 = vector.shape_cast %rsqrt3A : vector<1000x1xf32> to vector<1x1000x1xf32>
    %reduce_sum3A_48 = arith.constant dense<0.000000e+00> : vector<1xf32>
    %reduce_sum3A_49 = vector.multi_reduction <add>, %reduce_sum3A_47, %reduce_sum3A_48 [1, 2] : vector<1x1000x1xf32> to vector<1xf32>
    %reduce_sum3A_50 = vector.shape_cast %reduce_sum3A_49 : vector<1xf32> to vector<1x1x1xf32>
    %reduce_sum3A_51 = vector.extract %reduce_sum3A_50[0, 0, 0] : f32 from vector<1x1x1xf32>
    %div3A = arith.divf %reduce_sum3A_46, %reduce_sum3A_51 : f32
    %broadcast_in_dim3A_52 = vector.broadcast %div3A : f32 to vector<1x1xf32>
    %swap3A = arith.constant 0 : index
    %swap3A_53 = arith.constant 0 : index
    %swap3A_54 = vector.load %arg4[%swap3A, %swap3A_53] : memref<1x1xf32, #tpu.memory_space<vmem>>, vector<1x1xf32>
    tpu.vector_store %arg4[%swap3A, %swap3A_53], %broadcast_in_dim3A_52 {strides = array<i32>} : memref<1x1xf32, #tpu.memory_space<vmem>>, vector<1x1xf32>,
    return
  }
}

</mosaic_0001>

<sc_bundles>
// kernel: kernel.4.cloned.1.call-start
scs
__scs_entry_jumppad:
0x0: {  	(pc) =	sbr.rel $0x88, $3  }
0x1: {  	(tag) =	ssettag $0x0;
	lr =	simm.s32 $0x1  }
0x2: {  	[smem:$0x3F9D] =	sst lr;
	_ =	strace $0xD0000000  }
0x3: {  	_ = 	snop  }
0x4: {  	_ = 	snop  }
0x5: {  	_ = 	snop  }
0x6: {  	_ = 	snop  }
0x7: {  	_ = 	snop  }
__scs_overlays_trampoline_lowered:
0x8: {  	[smem:$0x3FAC] =	sst s0  }
0x9: {  	[smem:$0x3FAD] =	sst s1  }
0xa: {  	[smem:$0x3FAE] =	sst s2  }
0xb: {  	[smem:$0x3FAF] =	sst s3  }
0xc: {  	[smem:$0x3FB0] =	sst s4  }
0xd: {  	[smem:$0x3FB1] =	sst s5  }
0xe: {  	[smem:$0x3FB2] =	sst s6  }
0xf: {  	[smem:$0x3FB3] =	sst s7  }
0x10: {  	[smem:$0x3FB4] =	sst s8  }
0x11: {  	[smem:$0x3FB5] =	sst s9;
	s0 =	simm.s32 @!p0 $0x0  }
0x12: {  	s1 =	sld [smem:$0x3F9B];
	s0 =	simm.s32 @p0 $0x1  }
0x13: {  	[smem:$0x3FB6] =	sst s0;
	s0 =	simm.s32 @!p1 $0x0  }
0x14: {  	s2 =	sld [smem:$0x3F9A];
	s0 =	simm.s32 @p1 $0x1  }
0x15: {  	[smem:$0x3FB7] =	sst s0;
	s0 =	simm.s32 @!p2 $0x0  }
0x16: {  	s3 =	sld [smem:$0x3FDB];
	s0 =	simm.s32 @p2 $0x1  }
0x17: {  	s4 =	simm.s32 $0x1BF5;
	[smem:$0x3FB9] =	sst s0  }
0x18: {  	s0 =	sld [smem:$0x3F9C];
	_ =	swait.ge [sflag:s4], $0x0  }
0x19: {  	s7 =	sld [smem:$0x3F9D]  }
0x1a: {  	s8 =	sadd.s32 $0xFFFFE003, lr  }
0x1b: {  	s9 =	sadd.s32 $0xFFFFFEF7, lr;
	s5 =	simm.s32 $0xFFFFFFFF;
	p2 =	slt.u32 s8, $0xFFFFF086  }
0x1c: {  	p1 =	slt.u32 s9, $0xF7A;
	s5 =	simm.s32 @!p2 $0x0  }
0x1d: {  	s5 =	simm.s32 @p1 $0x1;
	p0 =	seq.s32 s7, s2  }
0x1e: {  	s7 =	smul.u32 @!p0 $0xF7A, s2;
	p2 =	seq.s32 @!p0 s5, $0x0  }
0x1f: {  	s9 =	smul.u32 $0xF7A, s1;
	s8 =	simm.s32 @!p0 $0x1BF5;
	p2 =	por !p2, p0  }
0x20: {  	[sflag:s8] =	ssyncset.s32 @!p0 $0xFFFFF086;
	s6 =	sadd.s32 @!p0 s3, s7;
	s7 =	simm.s32 @!p0 $0x108  }
0x21: {  	s3 =	sadd.s32 s3, s9;
	s6 =	sadd.s32 @!p0 $0x88, s6;
	s7 =	simm.s32 @p2 $0x1082  }
0x22: {  	[simem:s7], [sflag:s8] =	dma.local @!p0 [hbm:s6], $0xF7A  }
0x23: {  	s9 =	sor.u32 $0xD0000000, s2;
	s6 =	simm.s32 $0x108;
	_ =	swait.ge @!p0 [sflag:s8], $0x0  }
0x24: {  	s3 =	sadd.s32 $0x88, s3;
	s6 =	simm.s32 @!p1 $0x1082;
	[sflag:s4] =	ssyncset.s32 $0xFFFFF086  }
0x25: {  	[simem:s6], [sflag:s4] =	dma.local [hbm:s3], $0xF7A  }
0x26: {  	[smem:$0x3F9D] =	sst s1;
	(tag) =	ssettag s2;
	_ =	strace s9  }
0x27: {  	s1 =	sld [smem:$0x3FAD]  }
0x28: {  	s2 =	sld [smem:$0x3FAE]  }
0x29: {  	s4 =	sld [smem:$0x3FB0]  }
0x2a: {  	p0 =	seq.s32 s5, $0x0;
	s5 =	sld [smem:$0x3FB1]  }
0x2b: {  	s6 =	sld [smem:$0x3FB2]  }
0x2c: {  	s7 =	sld [smem:$0x3FB3]  }
0x2d: {  	s3 =	simm.s32 $0x108;
	s8 =	sld [smem:$0x3FB4]  }
0x2e: {  	s3 =	simm.s32 @!p0 $0x1082;
	s9 =	sld [smem:$0x3FB5]  }
0x2f: {  	lr =	sadd.s32 s0, s3;
	s0 =	sld [smem:$0x3FAC]  }
0x30: {  	s3 =	sld [smem:$0x3FAF]  }
0x31: {  	[smem:$0x3FB8] =	sst s10  }
0x32: {  	s10 =	sld [smem:$0x3FB6];
	_ =	sdelay $0x3  }
0x33: {  	p0 =	seq.s32 s10, $0x1;
	s10 =	sld [smem:$0x3FB8];
	_ =	sdelay $0x3  }
0x34: {  	[smem:$0x3FB8] =	sst s10  }
0x35: {  	s10 =	sld [smem:$0x3FB7];
	_ =	sdelay $0x3  }
0x36: {  	p1 =	seq.s32 s10, $0x1;
	s10 =	sld [smem:$0x3FB8];
	_ =	sdelay $0x3  }
0x37: {  	[smem:$0x3FB8] =	sst s10  }
0x38: {  	s10 =	sld [smem:$0x3FB9]  }
0x39: {  	_ = 	snop;
	(pc) =	sbr.ind lr, $3  }
0x3a: {  	_ = 	snop  }
0x3b: {  	_ = 	snop  }
0x3c: {  	p2 =	seq.s32 s10, $0x1;
	s10 =	sld [smem:$0x3FB8]  }
0x3d: {  	_ =	shalt  }
0x3e: {  	_ =	shalt  }
0x3f: {  	_ =	shalt  }
0x40: {  	_ =	shalt  }
0x41: {  	_ =	shalt  }
0x42: {  	_ =	shalt  }
0x43: {  	_ =	shalt  }
0x44: {  	_ =	shalt  }
0x45: {  	_ =	shalt  }
0x46: {  	_ =	shalt  }
0x47: {  	_ =	shalt  }
0x48: {  	_ =	shalt  }
0x49: {  	_ =	shalt  }
0x4a: {  	_ =	shalt  }
0x4b: {  	_ =	shalt  }
0x4c: {  	_ =	shalt  }
0x4d: {  	_ =	shalt  }
0x4e: {  	_ =	shalt  }
0x4f: {  	_ =	shalt  }
0x50: {  	_ =	shalt  }
0x51: {  	_ =	shalt  }
0x52: {  	_ =	shalt  }
0x53: {  	_ =	shalt  }
0x54: {  	_ =	shalt  }
0x55: {  	_ =	shalt  }
0x56: {  	_ =	shalt  }
0x57: {  	_ =	shalt  }
0x58: {  	_ =	shalt  }
0x59: {  	_ =	shalt  }
0x5a: {  	_ =	shalt  }
0x5b: {  	_ =	shalt  }
0x5c: {  	_ =	shalt  }
0x5d: {  	_ =	shalt  }
0x5e: {  	_ =	shalt  }
0x5f: {  	_ =	shalt  }
0x60: {  	_ =	shalt  }
0x61: {  	_ =	shalt  }
0x62: {  	_ =	shalt  }
0x63: {  	_ =	shalt  }
0x64: {  	_ =	shalt  }
0x65: {  	_ =	shalt  }
0x66: {  	_ =	shalt  }
0x67: {  	_ =	shalt  }
0x68: {  	_ =	shalt  }
0x69: {  	_ =	shalt  }
0x6a: {  	_ =	shalt  }
0x6b: {  	_ =	shalt  }
0x6c: {  	_ =	shalt  }
0x6d: {  	_ =	shalt  }
0x6e: {  	_ =	shalt  }
0x6f: {  	_ =	shalt  }
0x70: {  	_ =	shalt  }
0x71: {  	_ =	shalt  }
0x72: {  	_ =	shalt  }
0x73: {  	_ =	shalt  }
0x74: {  	_ =	shalt  }
0x75: {  	_ =	shalt  }
0x76: {  	_ =	shalt  }
0x77: {  	_ =	shalt  }
0x78: {  	_ =	shalt  }
0x79: {  	_ =	shalt  }
0x7a: {  	_ =	shalt  }
0x7b: {  	_ =	shalt  }
0x7c: {  	_ =	shalt  }
0x7d: {  	_ =	shalt  }
0x7e: {  	_ =	shalt  }
0x7f: {  	_ =	shalt  }
0x80: {  	_ =	shalt  }
0x81: {  	_ =	shalt  }
0x82: {  	_ =	shalt  }
0x83: {  	_ =	shalt  }
0x84: {  	_ =	shalt  }
0x85: {  	_ =	shalt  }
0x86: {  	_ =	shalt  }
0x87: {  	_ =	shalt  }
.Lfunc_end0:
.L_simem_size_0:
called_computation_lowered:
.L_overlay_start_0:
0x88: {  	s2 =	sld [smem:$0x3FD9]  }
0x89: {  	s3 =	sld [smem:$0x3FFE];
	_ =	sdelay $0x1  }
0x8a: {  	s1 =	srdreg.scid  }
0x8b: {  	s0 =	sand.u32 $0x1, s1  }
0x8c: {  	s17 =	sshll.u32 s0, $0xA;
	s2 =	sadd.s32 s3, s2  }
0x8d: {  	s2 =	sadd.s32 s2, s17  }
0x8e: {  	[smem:$0x3FC4] =	sst s2  }
0x8f: {  	_ = 	snop  }
0x90: {  	s2 =	sld [smem:$0x3FC8];
	(tm) =	ssettm $0x1  }
0x91: {  	s18 =	sld [smem:$0x3FFB];
	_ =	sdelay $0x3  }
0x92: {  	_ =	strace s18  }
0x93: {  	s3 =	sld [smem:$0x3FFC];
	_ =	sdelay $0x3  }
0x94: {  	_ =	strace s3  }
0x95: {  	s3 =	sld [smem:$0x3FFD];
	_ =	sdelay $0x3  }
0x96: {  	_ =	strace s3  }
0x97: {  	_ =	strace $0x8FFFFFFF  }
0x98: {  	s19 =	sld [smem:$0x3FDB];
	_ =	sdelay $0x1  }
0x99: {  	s4 =	simm.s32 $_scs_section_size  }
0x9a: {  	s5 =	simm.s32 $_size__tile_overlayer_lowered;
	s6 =	simm.s32 $_tile_overlayer_lowered  }
0x9b: {  	s22 =	simm.s32 $0x1BFF;
	s21 =	sshll.u32 s6, $0x1;
	s3 =	sadd.s32 s4, s19  }
0x9c: {  	s7 =	simm.s32 $0x0;
	s20 =	sshll.u32 s5, $0x1;
	s5 =	sadd.s32 s21, s3  }
0x9d: {  	[timem:s7], [sflag:s22] =	dma.local [hbm:s5], s20  }
0x9e: {  	_ =	swait.ge [sflag:s22], s20  }
0x9f: {  	s4 =	ssub.s32 $0x0, s20;
	[sflag:s22] =	ssyncset.done $0x0  }
0xa0: {  	[sflag:s22] =	ssyncadd.s32 s4;
	_ =	sdelay $0x1  }
0xa1: {  	s23 =	simm.s32 $0x1B8B  }
0xa2: {  	_ =	swait.ge [sflag:s23], $0x1  }
0xa3: {  	[sflag:s23] =	ssyncset.done $0x0  }
0xa4: {  	s25 =	simm.s32 $0x1B8E;
	s24 =	sld [smem:$0x3FFE];
	[sflag:s23] =	ssyncadd.s32 $0xFFFFFFFF  }
0xa5: {  	s26 =	simm.s32 $execute0_lowered;
	[smem:$0x3FD2] =	sst s25  }
0xa6: {  	s5 =	sshll.u32 s26, $0x1;
	_ =	strace $0x80000046;
	[dreg:$0x1] =	wrdreg $0xFFFFFFFF  }
0xa7: {  	s28 =	simm.s32 $_size_execute0_lowered;
	s3 =	sadd.s32 s3, s5;
	[dreg:$0x0] =	wrdreg $0x0  }
0xa8: {  	s5 =	sshll.u32 s28, $0x1;
	[dreg:$0x2] =	wrdreg s3  }
0xa9: {  	[dreg:$0x3] =	wrdreg s5  }
0xaa: {  	[dreg:$0x4] =	wrdreg $0xC0  }
0xab: {  	_ =	task [dreg:s7], $0x5FFFF  }
0xac: {  	[dreg:$0x1] =	wrdreg $0xFFFFFFFF  }
0xad: {  	[dreg:$0x0] =	wrdreg $0x60  }
0xae: {  	[dreg:$0x2] =	wrdreg s24  }
0xaf: {  	[dreg:$0x3] =	wrdreg s2  }
0xb0: {  	[dreg:$0x4] =	wrdreg $0x9  }
0xb1: {  	_ =	task.clear_ibuf [dreg:s7], $0x5FFFF;
	_ =	strace $0x90000046  }
0xb2: {  	s29 =	simm.s32 $0x9;
	_ =	strace $0x80000048  }
0xb3: {  	_ =	swait.ge [sflag:s29], $0x1  }
0xb4: {  	[sflag:s29] =	ssyncadd.s32 $0xFFFFFFFF  }
0xb5: {  	_ =	strace $0x90000048  }
0xb6: {  	_ =	sfence  }
0xb7: {  	s30 =	sld [smem:$0x0];
	_ =	sdelay $0x2  }
0xb8: {  	s31 =	sshll.u32 s1, $0xD;
	s1 =	sshrl.u32 s1, $0x2  }
0xb9: {  	s3 =	sand.u32 $0x4000, s31;
	s1 =	sadd.s32 s1, s30  }
0xba: {  	s0 =	sor.u32 s3, s0;
	s1 =	sshll.u32 s1, $0x11  }
0xbb: {  	s0 =	sor.u32 s1, s0  }
0xbc: {  	s0 =	sadd.s32 $0x8F2B, s0  }
0xbd: {  	[sflag:s0] =	ssyncadd.remote.s32 $0x1  }
0xbe: {  	_ =	sfence.sel $0xFFFF  }
0xbf: {  	[dreg:$0x0] =	wrdreg $0xFFFFFFFF;
	(pc) =	sbr.abs _section_cstart, $3  }
0xc0: {  	[dreg:$0x1] =	wrdreg $0xFFFFFFFF  }
0xc1: {  	_ =	task.clear_ibuf [dreg:s7], $0x2FFFF;
	_ =	strace $0x9FFFFFFF  }
0xc2: {  	(tm) =	ssettm $0x7FFFFFFF  }
0xc3: {  	_ =	shalt  }
tec
execute0_lowered:
.L_overlay_start_1:
0x0: {  	(tag) =	ssettag $0x1  }
0x1: {  	s4 =	rddreg [dreg:$0x0];
	s1 =	srdreg.scid  }
0x2: {  	s0 =	stileid.u32;
	s2 =	rddreg [dreg:$0x1];
	s3 =	simm.s32 $0x0  }
0x3: {  	s9 =	simm.s32 $0xC00;
	s10 =	simm.s32 $0x2;
	s11 =	simm.s32 $0x0  }
0x4: {  	s5 =	sand.u32 $0x1, s1;
	s6 =	sshll.u32 s0, $0x1;
	s1 =	rddreg [dreg:$0x2]  }
0x5: {  	[smem:$0x7FF] =	sst s3;
	s6 =	sor.u32 s5, s6;
	s5 =	ssub.s32 $0x2, s5  }
0x6: {  	s7 =	smul.u32 $0xFA, s6;
	s6 =	sshll.u32 s6, $0x8;
	s31 =	sshrl.u32 s5, $0x1  }
0x7: {  	_ =	strace $0x80000047;
	s6 =	sadd.s32 s6, s4;
	s8 =	ssub.s32 s5, s31  }
0x8: {  	s7 =	sadd.s32 s7, s4;
	s5 =	sadd.s32 $0x2800, s6;
	s6 =	smax.u32 s8, $0x1  }
0x9: {  	v0 =	vimm.f32 $0.0e+00;
	v1 =	vimm.s32 $0x400;
	v2 =	vimm.f32 $1.000000000e+00;
	s8 =	simm.s32 $0x1;
	s4 =	sadd.s32 $0x800, s7;
	s7 =	simm.s32 $0x800  }
.LBB2_1:
0xa: {  	[tilespmem:s3], [sflag:$0x1] =	stream.linear.gather [hbm4b:s4+s3], $0x7D0, $0x38;
	[tilespmem:$0x1400] =	vst v63  }
0xb: {  	s12 =	simm.s32 $0xC40  }
0xc: {  	[tilespmem:s7], [sflag:$0x1] =	stream.linear.gather [hbm4b:s2+s3], $0x400, $0x38;
	[tilespmem:$0x1400] =	vst v63  }
0xd: {  	[tilespmem:s12+$0xFFFFFFC0] =	vst v0  }
0xe: {  	[tilespmem:s12+$0x30] =	vst v0  }
0xf: {  	[tilespmem:s12+$0x20] =	vst v0  }
0x10: {  	[tilespmem:s12+$0x10] =	vst v0  }
0x11: {  	[tilespmem:s12+$0x0] =	vst v0  }
0x12: {  	[tilespmem:s12+$0xFFFFFFF0] =	vst v0  }
0x13: {  	s13 =	simm.s32 $0x0;
	[tilespmem:s12+$0xFFFFFFE0] =	vst v0  }
.LBB2_2:
0x14: {  	s13 =	sadd.s32 $0x8, s13;
	[tilespmem:s12+$0xFFFFFFD0] =	vst v0;
	s12 =	sadd.s32 $0x80, s12  }
0x15: {  	[tilespmem:s12+$0xFFFFFFC0] =	vst v0;
	p0 =	slt.u32 s13, $0x78  }
0x16: {  	[tilespmem:s12+$0x30] =	vst v0  }
.Ltmp0:
0x17: {  	[tilespmem:s12+$0x20] =	vst v0;
	(pc) =	sbr.rel @p0 .LBB2_2-.Ltmp0, $4  }
0x18: {  	[tilespmem:s12+$0x10] =	vst v0  }
0x19: {  	[tilespmem:s12+$0x0] =	vst v0  }
0x1a: {  	[tilespmem:s12+$0xFFFFFFF0] =	vst v0  }
0x1b: {  	[tilespmem:s12+$0xFFFFFFE0] =	vst v0  }
0x1c: {  	[tilespmem:s12+$0xFFFFFFD0] =	vst v0  }
0x1d: {  	_ =	swait.ge [sflag:s8], $0x7D0  }
0x1e: {  	[sflag:s8] =	ssyncset.done $0x0  }
0x1f: {  	[sflag:s8] =	ssyncadd.s32 $0xFFFFF830  }
0x20: {  	_ =	swait.ge [sflag:s8], $0x400  }
0x21: {  	[sflag:s8] =	ssyncset.done $0x0  }
0x22: {  	s30 =	simm.s32 $0x20;
	[sflag:s8] =	ssyncadd.s32 $0xFFFFFC00  }
0x23: {  	v4 =	vld [tilespmem:s30+$0x20]  }
0x24: {  	v3 =	vld [tilespmem:s30+$0xFFFFFFF0]  }
0x25: {  	v5 =	vld [tilespmem:s30+$0x0]  }
0x26: {  	v6 =	vld [tilespmem:s30+$0xFFFFFFE0]  }
0x27: {  	s31 =	simm.s32 $0x70;
	v11 =	vld [tilespmem:s30+$0x10]  }
0x28: {  	v17 =	vld [tilespmem:s31+$0x0];
	v7 =	vand.u32 $0x3FF, v4  }
0x29: {  	v19 =	vld [tilespmem:s31+$0x10];
	v8 =	vand.u32 $0x3FF, v3  }
0x2a: {  	v20 =	vld [tilespmem:s31+$0xFFFFFFE0];
	v9 =	vand.u32 $0x3FF, v5  }
0x2b: {  	v10 =	vand.u32 $0x3FF, v6;
	v16 =	vshrl.u32 v6, $0xA;
	v6 =	vld [tilespmem:s31+$0x20]  }
0x2c: {  	v13 =	vand.u32 $0x3FF, v11;
	v18 =	vshrl.u32 v11, $0xA;
	v11 =	vld [tilespmem:s31+$0xFFFFFFF0]  }
0x2d: {  	v12 =	vld.idx.msk [tilespmem:v7+s7+$0x0], $0xffff  }
0x2e: {  	v8 =	vld.idx.msk [tilespmem:v8+s7+$0x0], $0xffff  }
0x2f: {  	v9 =	vld.idx.msk [tilespmem:v9+s7+$0x0], $0xffff  }
0x30: {  	v14 =	vshrl.u32 v3, $0xA;
	v10 =	vld.idx.msk [tilespmem:v10+s7+$0x0], $0xffff  }
0x31: {  	v15 =	vshrl.u32 v5, $0xA;
	v4 =	vshrl.u32 v4, $0xA;
	v26 =	vand.u32 $0x3FF, v17;
	v24 =	vld.idx.msk [tilespmem:v13+s7+$0x0], $0xffff  }
0x32: {  	v29 =	vand.u32 $0x3FF, v20;
	v23 =	vand.u32 $0x7F, v16;
	v5 =	vand.u32 $0x7F, v14  }
0x33: {  	v3 =	vand.u32 $0x7F, v18;
	v7 =	vand.u32 $0x7F, v15;
	v22 =	vand.u32 $0x3FF, v6  }
0x34: {  	v25 =	vand.u32 $0x3FF, v11;
	vm0 =	vgt.f32 v12, $9.990000120e-01;
	vm1 =	vgt.f32 v8, $9.990000120e-01  }
0x35: {  	vm13 =	vgt.f32 v9, $9.990000120e-01;
	vm14 =	vgt.f32 v10, $9.990000120e-01;
	v9 =	vshrl.u32 v17, $0xA  }
0x36: {  	v12 =	vand.u32 $0x3FF, v19;
	vm15 =	vgt.f32 v24, $9.990000120e-01;
	v8 =	vsel vm0, $0x0, v1  }
0x37: {  	v21 =	vsel vm1, $0x0, v1;
	v27 =	vsel vm14, $0x0, v1;
	v8 =	vadd.s32 v4, v8  }
0x38: {  	v28 =	vsel vm13, $0x0, v1;
	v4 =	vand.u32 $0x7F, v4;
	v8 =	vand.u32 $0x7FFF80, v8  }
0x39: {  	v16 =	vadd.s32 v16, v27;
	v14 =	vadd.s32 v14, v21;
	v10 =	vor.u32 v4, v8  }
0x3a: {  	v13 =	vld.idx.msk [tilespmem:v22+s7+$0x0], $0xffff;
	v15 =	vadd.s32 v15, v28;
	v27 =	vand.u32 $0x7FFF80, v16;
	v21 =	vand.u32 $0x7FFF80, v14  }
0x3b: {  	v17 =	vld.idx.msk [tilespmem:v26+s7+$0x0], $0xffff;
	v22 =	vand.u32 $0x7FFF80, v15;
	v14 =	vsel vm15, $0x0, v1;
	v15 =	vand.u32 $0x7F, v9  }
0x3c: {  	v8 =	vshrl.u32 v11, $0xA;
	v11 =	vshrl.u32 v20, $0xA;
	v4 =	vshrl.u32 v19, $0xA;
	v20 =	vld.idx.msk [tilespmem:v25+s7+$0x0], $0xffff  }
0x3d: {  	v63 =	vadd.s32 v18, v14;
	v18 =	vld.idx.msk [tilespmem:v29+s7+$0x0], $0xffff;
	v14 =	vor.u32 v23, v27;
	v16 =	vand.u32 $0x7F, v8  }
0x3e: {  	s12 =	simm.s32 $0x5;
	s13 =	simm.s32 $0xC0;
	v19 =	vand.u32 $0x7F, v4;
	v23 =	vand.u32 $0x7FFF80, v63;
	[tilespmem:v10+s9+$0x0] =	vst.idx.add.f32.msk $0xffff, v2;
	v10 =	vand.u32 $0x7F, v11  }
.LBB2_4:
0x3f: {  	v24 =	vld [tilespmem:s13+$0x20];
	v21 =	vor.u32 v5, v21;
	v22 =	vor.u32 v7, v22;
	v23 =	vor.u32 v3, v23;
	v5 =	vmovc v16  }
0x40: {  	s12 =	sadd.s32 $0x5, s12;
	v7 =	vmov v15;
	v3 =	vmov v19;
	v16 =	vld [tilespmem:s13+$0xFFFFFFF0]  }
0x41: {  	vm0 =	vgt.f32 v13, $9.990000120e-01;
	p0 =	slt.u32 s12, $0x78;
	v15 =	vld [tilespmem:s13+$0x0]  }
0x42: {  	v27 =	vshrl.u32 v6, $0xA;
	v19 =	vsel vm0, $0x0, v1;
	vm1 =	vgt.f32 v20, $9.990000120e-01;
	v13 =	vld [tilespmem:s13+$0x10]  }
0x43: {  	v25 =	vsel vm1, $0x0, v1;
	vm0 =	vgt.f32 v17, $9.990000120e-01;
	v17 =	vadd.s32 v27, v19;
	v20 =	vld [tilespmem:s13+$0xFFFFFFE0]  }
0x44: {  	v19 =	vand.u32 $0x3FF, v24;
	v26 =	vld.idx.msk [tilespmem:v12+s7+$0x0], $0xffff;
	v12 =	vand.u32 $0x7FFF80, v17;
	v17 =	vand.u32 $0x7F, v27;
	v6 =	vmovc v24  }
0x45: {  	vm1 =	vgt.f32 v18, $9.990000120e-01;
	v24 =	vand.u32 $0x3FF, v16;
	v17 =	vor.u32 v17, v12;
	[tilespmem:v14+s9+$0x0] =	vst.idx.add.f32.msk $0xffff, v2  }
0x46: {  	v18 =	vsel vm1, $0x0, v1;
	v27 =	vsel vm0, $0x0, v1;
	v14 =	vand.u32 $0x3FF, v15;
	[tilespmem:v21+s9+$0x0] =	vst.idx.add.f32.msk $0xffff, v2  }
0x47: {  	v16 =	vshrl.u32 v16, $0xA;
	v15 =	vshrl.u32 v15, $0xA;
	v12 =	vand.u32 $0x3FF, v13;
	[tilespmem:v22+s9+$0x0] =	vst.idx.add.f32.msk $0xffff, v2  }
0x48: {  	v30 =	vshrl.u32 v13, $0xA;
	v28 =	vshrl.u32 v20, $0xA;
	v29 =	vand.u32 $0x3FF, v20;
	[tilespmem:v23+s9+$0x0] =	vst.idx.add.f32.msk $0xffff, v2  }
.Ltmp1:
0x49: {  	v31 =	vadd.s32 v11, v18;
	v18 =	vadd.s32 v9, v27;
	v13 =	vld.idx.msk [tilespmem:v19+s7+$0x0], $0xffff;
	v19 =	vadd.s32 v8, v25;
	(pc) =	sbr.rel @p0 .LBB2_4-.Ltmp1, $4  }
0x4a: {  	v9 =	vmovc v15;
	v23 =	vand.u32 $0x7FFF80, v31;
	vm0 =	vgt.f32 v26, $9.990000120e-01;
	v8 =	vmovc v16;
	v21 =	vand.u32 $0x7FFF80, v19;
	[tilespmem:v17+s9+$0x0] =	vst.idx.add.f32.msk $0xffff, v2  }
0x4b: {  	v22 =	vand.u32 $0x7FFF80, v18;
	v25 =	vand.u32 $0x7F, v28;
	v11 =	vmovc v28;
	v18 =	vsel vm0, $0x0, v1;
	v20 =	vld.idx.msk [tilespmem:v24+s7+$0x0], $0xffff  }
0x4c: {  	v15 =	vand.u32 $0x7F, v9;
	v16 =	vand.u32 $0x7F, v8;
	v24 =	vadd.s32 v4, v18;
	v4 =	vmovc v30;
	v17 =	vld.idx.msk [tilespmem:v14+s7+$0x0], $0xffff  }
0x4d: {  	s13 =	sadd.s32 $0x50, s13;
	v19 =	vand.u32 $0x7F, v4;
	v14 =	vor.u32 v10, v23;
	v23 =	vand.u32 $0x7FFF80, v24;
	v10 =	vmovc v25;
	v18 =	vld.idx.msk [tilespmem:v29+s7+$0x0], $0xffff  }
0x4e: {  	_ =	sdelay $0x2  }
0x4f: {  	v5 =	vor.u32 v5, v21;
	v7 =	vor.u32 v7, v22;
	vm0 =	vgt.f32 v13, $9.990000120e-01  }
0x50: {  	v6 =	vshrl.u32 v6, $0xA;
	v12 =	vld.idx.msk [tilespmem:v12+s7+$0x0], $0xffff;
	v3 =	vor.u32 v3, v23;
	v13 =	vsel vm0, $0x0, v1  }
0x51: {  	vm1 =	vgt.f32 v20, $9.990000120e-01;
	v13 =	vadd.s32 v6, v13;
	v6 =	vand.u32 $0x7F, v6  }
0x52: {  	v20 =	vsel vm1, $0x0, v1;
	v13 =	vand.u32 $0x7FFF80, v13;
	vm14 =	vgt.f32 v17, $9.990000120e-01  }
0x53: {  	vm13 =	vgt.f32 v18, $9.990000120e-01;
	v6 =	vor.u32 v6, v13;
	v17 =	vsel vm14, $0x0, v1  }
0x54: {  	v8 =	vadd.s32 v8, v20;
	v62 =	vsel vm13, $0x0, v1;
	v9 =	vadd.s32 v9, v17  }
0x55: {  	vm15 =	vgt.f32 v12, $9.990000120e-01;
	v8 =	vand.u32 $0x7FFF80, v8;
	v11 =	vadd.s32 v11, v62  }
0x56: {  	[tilespmem:v14+s9+$0x0] =	vst.idx.add.f32.msk $0xffff, v2;
	v12 =	vsel vm15, $0x0, v1;
	v63 =	vand.u32 $0x7FFF80, v9;
	v8 =	vor.u32 v16, v8  }
0x57: {  	[tilespmem:v5+s9+$0x0] =	vst.idx.add.f32.msk $0xffff, v2;
	v11 =	vand.u32 $0x7FFF80, v11;
	v4 =	vadd.s32 v4, v12;
	v5 =	vor.u32 v15, v63  }
0x58: {  	[tilespmem:v7+s9+$0x0] =	vst.idx.add.f32.msk $0xffff, v2;
	v10 =	vor.u32 v10, v11;
	v4 =	vand.u32 $0x7FFF80, v4  }
0x59: {  	[tilespmem:v3+s9+$0x0] =	vst.idx.add.f32.msk $0xffff, v2;
	v3 =	vor.u32 v19, v4  }
0x5a: {  	[tilespmem:v6+s9+$0x0] =	vst.idx.add.f32.msk $0xffff, v2  }
0x5b: {  	[tilespmem:v8+s9+$0x0] =	vst.idx.add.f32.msk $0xffff, v2  }
0x5c: {  	s11 =	sadd.s32 $0x1, s11;
	[tilespmem:v5+s9+$0x0] =	vst.idx.add.f32.msk $0xffff, v2  }
0x5d: {  	p0 =	sne.s32 s11, s6;
	[tilespmem:v10+s9+$0x0] =	vst.idx.add.f32.msk $0xffff, v2  }
.Ltmp2:
0x5e: {  	[tilespmem:v3+s9+$0x0] =	vst.idx.add.f32.msk $0xffff, v2;
	(pc) =	sbr.rel @p0 .LBB2_1-.Ltmp2, $4  }
0x5f: {  	[hbm4b:s5+s3] =	stream.linear.scatter [tilespmem:s9], [sflag:$0x2], $0x800, $0x38;
	[tilespmem:$0x1400] =	vst v63  }
0x60: {  	_ =	swait.ge [sflag:s10], $0x800  }
0x61: {  	[sflag:s10] =	ssyncset.done $0x0  }
0x62: {  	[sflag:s10] =	ssyncadd.s32 $0xFFFFF800  }
0x63: {  	_ =	sfence.sel $0x180000  }
0x64: {  	[bflag:$0x0] =	sbarrier.arrive $0xFFFF  }
0x65: {  	p0 =	sne.s32 s0, $0x0;
	_ =	strace $0x90000047  }
0x66: {  	s0 =	sadd.s32 @!p0 $0x100000, s1;
	[bflag:$0x2] =	sbarrier.arrive $0xFFFF  }
0x67: {  	[sflag:s0] =	ssyncadd.tile.s32 @!p0 $0x1;
	_ =	shalt  }
.Lfunc_end2:
_tile_overlayer_lowered:
.L_overlay_start_2:
0x68: {  	(tag) =	ssettag $0x2  }
0x69: {  	s0 =	rddreg [dreg:$0x0];
	s2 =	stileid.u32  }
0x6a: {  	s1 =	rddreg [dreg:$0x1];
	p0 =	sne.s32 s2, $0x0  }
0x6b: {  	s3 =	rddreg [dreg:$0x2];
	[bflag:$0x3] =	sbarrier.arrive $0xFFFF;
	s2 =	simm.s32 @!p0 $0x1C02  }
0x6c: {  	[timem:s3], [sflag:s2] =	dma.local @!p0 [hbm:s0], s1  }
0x6d: {  	s0 =	simm.s32 @!p0 $0x2  }
0x6e: {  	_ =	swait.ge @!p0 [sflag:s0], s1  }
0x6f: {  	s1 =	ssub.s32 @!p0 $0x0, s1;
	[sflag:s0] =	ssyncset.done @!p0 $0x0  }
0x70: {  	[sflag:s0] =	ssyncadd.s32 @!p0 s1  }
0x71: {  	[bflag:$0x3] =	sbarrier.arrive $0xFFFF  }
0x72: {  	_ =	shalt  }

</sc_bundles>
